<compile_context>
chip_gen: v7x
topology: tpu7x:2x2x1
jax: 0.10.2.dev20260603
libtpu: 0.0.44.dev20260713+nightly
codegen_flags: <defaults>
</compile_context>

<pallas_src>
import functools

import jax
import jax.numpy as jnp
from jax import lax
from jax.experimental import pallas as pl
from jax.experimental.pallas import tpu as pltpu
from jax.experimental.pallas import tpu_sc as plsc


def _block_rows(n, want):
    best = None
    for k in range(8, want + 1, 8):
        if n % k == 0:
            best = k
    return best


def _make_sc_gather(n, d, b):
    info = plsc.get_sparse_core_info()
    nc, ns = info.num_cores, info.num_subcores
    nw = nc * ns
    assert b % (8 * nw) == 0 and d % info.num_lanes == 0
    b_per_w = b // nw
    mesh = plsc.VectorSubcoreMesh(core_axis_name="c", subcore_axis_name="s")

    @functools.partial(
        pl.kernel,
        mesh=mesh,
        out_type=jax.ShapeDtypeStruct((b, d), jnp.float32),
        scratch_types=[
            pltpu.VMEM((b_per_w,), jnp.int32),
            pltpu.VMEM((b_per_w, d), jnp.float32),
            pltpu.SemaphoreType.DMA,
        ],
    )
    def gather_k(table_hbm, idx_hbm, out_hbm, idx_v, rows_v, sem):
        wid = lax.axis_index("s") * nc + lax.axis_index("c")
        base = wid * b_per_w
        pltpu.sync_copy(idx_hbm.at[pl.ds(base, b_per_w)], idx_v)
        pltpu.async_copy(table_hbm.at[idx_v], rows_v, sem).wait()
        pltpu.sync_copy(rows_v, out_hbm.at[pl.ds(base, b_per_w)])

    return gather_k


def _stats_body(n, nb, feat_ref, g_ref, be_ref, ab_ref, acc_ref):
    i = pl.program_id(0)

    @pl.when(i == 0)
    def _init():
        acc_ref[...] = jnp.zeros_like(acc_ref)

    x = feat_ref[...]
    acc_ref[0:1, :] += jnp.sum(x, axis=0, keepdims=True)
    acc_ref[1:2, :] += jnp.sum(x * x, axis=0, keepdims=True)

    @pl.when(i == nb - 1)
    def _fin():
        mean = acc_ref[0:1, :] * (1.0 / n)
        var = acc_ref[1:2, :] * (1.0 / n) - mean * mean
        a = g_ref[...] * lax.rsqrt(var + 1e-5)
        ab_ref[0:1, :] = a
        ab_ref[1:2, :] = be_ref[...] - mean * a


def _q_body(b, fl_ref, it_ref, ab_ref, wv_ref, bv_ref, wi_ref, bi_ref, q_ref):
    fln = fl_ref[...] * ab_ref[0:1, :] + ab_ref[1:2, :]
    q_ref[...] = jnp.zeros_like(q_ref)
    q_ref[0:b, :] = (
        jnp.dot(it_ref[...], wv_ref[...], preferred_element_type=jnp.float32)
        + bv_ref[...]
        + jnp.dot(fln, wi_ref[...], preferred_element_type=jnp.float32)
        + bi_ref[...]
    ).astype(jnp.bfloat16)


def _main_body(k, b, bp, d, w, nb, s0_ref, s1_ref, seg_ref, pw_ref, feat_ref,
               ab_ref, q_ref, wu_ref, we_ref, rst_ref, pos_ref, acc_ref):
    i = pl.program_id(0)

    @pl.when(i == 0)
    def _init():
        acc_ref[...] = jnp.zeros_like(acc_ref)

    x = feat_ref[...]
    xn = x * ab_ref[0:1, :] + ab_ref[1:2, :]
    u = jnp.dot(xn.astype(jnp.bfloat16), wu_ref[...].astype(jnp.bfloat16),
                preferred_element_type=jnp.float32)
    seg = seg_ref[0]
    pw = pw_ref[0]
    s_lo = s0_ref[i]
    s8 = (s_lo // 8) * 8
    span_ok = (s1_ref[i] - s8) < (w - 1)

    def _attn(oh, qb):
        qn = lax.dot_general(oh, qb,
                             dimension_numbers=(((0,), (0,)), ((), ())),
                             preferred_element_type=jnp.float32)
        e = jnp.dot(jax.nn.sigmoid(u + qn), we_ref[...],
                    preferred_element_type=jnp.float32)
        wgt = jnp.exp(e)
        wgtb = jnp.broadcast_to(wgt, (k, d))
        y = jnp.concatenate([xn * wgt, xn * pw, wgtb],
                            axis=1).astype(jnp.bfloat16)
        return jnp.dot(oh, y, preferred_element_type=jnp.float32)

    @pl.when(span_ok)
    def _narrow():
        oh = (lax.broadcasted_iota(jnp.int32, (w, k), 0)
              == jnp.broadcast_to(seg - s8, (w, k))).astype(jnp.bfloat16)
        dy = _attn(oh, q_ref[pl.ds(s8, w), :])
        acc_ref[pl.ds(s8, w), :] = acc_ref[pl.ds(s8, w), :] + dy

    @pl.when(jnp.logical_not(span_ok))
    def _wide():
        oh = (lax.broadcasted_iota(jnp.int32, (b, k), 0)
              == jnp.broadcast_to(seg, (b, k))).astype(jnp.bfloat16)
        dy = _attn(oh, q_ref[0:b, :])
        acc_ref[0:b, :] = acc_ref[0:b, :] + dy

    @pl.when(i == nb - 1)
    def _fin():
        acc = acc_ref[0:b, :]
        s = acc[:, 2 * d:2 * d + 1]
        rst_ref[...] = jnp.where(s > 0, acc[:, :d] / s, 0.0)
        pos_ref[...] = acc[:, d:2 * d]


def kernel(feat, intend, last_nodes, position_weight, segment_ids, gamma,
           beta, W_u, W_v, b_v, W_i, b_i, W_e):
    n, d = feat.shape
    b, h = intend.shape[0], W_u.shape[1]

    fl = _make_sc_gather(n, d, b)(feat, last_nodes.astype(jnp.int32))

    k1 = _block_rows(n, 2048)
    nb1 = n // k1
    ab = pl.pallas_call(
        functools.partial(_stats_body, n, nb1),
        grid=(nb1,),
        in_specs=[
            pl.BlockSpec((k1, d), lambda i: (i, 0)),
            pl.BlockSpec((1, d), lambda i: (0, 0)),
            pl.BlockSpec((1, d), lambda i: (0, 0)),
        ],
        out_specs=pl.BlockSpec((2, d), lambda i: (0, 0)),
        out_shape=jax.ShapeDtypeStruct((2, d), jnp.float32),
        scratch_shapes=[pltpu.VMEM((2, d), jnp.float32)],
    )(feat, gamma.reshape(1, d), beta.reshape(1, d))

    win = 128
    bp = b + win
    q = pl.pallas_call(
        functools.partial(_q_body, b),
        in_specs=[pl.BlockSpec((b, d), lambda: (0, 0)),
                  pl.BlockSpec((b, d), lambda: (0, 0)),
                  pl.BlockSpec((2, d), lambda: (0, 0)),
                  pl.BlockSpec((d, h), lambda: (0, 0)),
                  pl.BlockSpec((1, h), lambda: (0, 0)),
                  pl.BlockSpec((d, h), lambda: (0, 0)),
                  pl.BlockSpec((1, h), lambda: (0, 0))],
        out_specs=pl.BlockSpec((bp, h), lambda: (0, 0)),
        out_shape=jax.ShapeDtypeStruct((bp, h), jnp.bfloat16),
    )(fl, intend, ab, W_v, b_v.reshape(1, h), W_i, b_i.reshape(1, h))

    k = _block_rows(n, 4096)
    nb = n // k
    seg32 = segment_ids.astype(jnp.int32)
    seg3 = seg32.reshape(nb, 1, k)
    pw3 = position_weight.reshape(nb, k, 1)
    s_start = seg32[::k]
    s_end = seg32[k - 1::k]
    grid_spec = pltpu.PrefetchScalarGridSpec(
        num_scalar_prefetch=2,
        grid=(nb,),
        in_specs=[
            pl.BlockSpec((1, 1, k), lambda i, *_: (i, 0, 0)),
            pl.BlockSpec((1, k, 1), lambda i, *_: (i, 0, 0)),
            pl.BlockSpec((k, d), lambda i, *_: (i, 0)),
            pl.BlockSpec((2, d), lambda i, *_: (0, 0)),
            pl.BlockSpec((bp, h), lambda i, *_: (0, 0)),
            pl.BlockSpec((d, h), lambda i, *_: (0, 0)),
            pl.BlockSpec((h, 1), lambda i, *_: (0, 0)),
        ],
        out_specs=[pl.BlockSpec((b, d), lambda i, *_: (0, 0)),
                   pl.BlockSpec((b, d), lambda i, *_: (0, 0))],
        scratch_shapes=[pltpu.VMEM((bp, 3 * d), jnp.float32)],
    )
    rst, pos = pl.pallas_call(
        functools.partial(_main_body, k, b, bp, d, win, nb),
        grid_spec=grid_spec,
        out_shape=[jax.ShapeDtypeStruct((b, d), jnp.float32),
                   jax.ShapeDtypeStruct((b, d), jnp.float32)],
    )(s_start, s_end, seg3, pw3, feat, ab, q, W_u, W_e)

    return (rst, pos)

# --- scband reference (transcript-rebuilt; emitter-appended) ---
"""Pipeline reference for scband-attn-readout-16655883174583 (READ-ONLY COPY).

The authoritative reference and input builder live on the scoring server;
editing this copy changes nothing except your own understanding.
"""

import jax, jax.numpy as jnp
import numpy as np

N = 100000
B = 1024
D = 128
H = 128

def setup_inputs(seed: int = 0):
    key = jax.random.key(seed)
    ks = jax.random.split(key, 12)
    feat = jax.random.normal(ks[0], (N, D), dtype=jnp.float32)
    intend = jax.random.normal(ks[1], (B, D), dtype=jnp.float32)
    last_nodes = jax.random.randint(ks[2], (B,), 0, N)
    position_weight = jax.random.uniform(ks[3], (N,), dtype=jnp.float32)
    segment_ids = jnp.sort(jax.random.randint(ks[4], (N,), 0, B))
    gamma = jnp.ones((D,), dtype=jnp.float32)
    beta = jnp.zeros((D,), dtype=jnp.float32)
    W_u = jax.random.normal(ks[5], (D, H), dtype=jnp.float32) * 0.02
    W_v = jax.random.normal(ks[6], (D, H), dtype=jnp.float32) * 0.02
    b_v = jnp.zeros((H,), dtype=jnp.float32)
    W_i = jax.random.normal(ks[7], (D, H), dtype=jnp.float32) * 0.02
    b_i = jnp.zeros((H,), dtype=jnp.float32)
    W_e = jax.random.normal(ks[8], (H, 1), dtype=jnp.float32) * 0.02
    return {"feat": feat, "intend": intend, "last_nodes": last_nodes,
            "position_weight": position_weight, "segment_ids": segment_ids,
            "gamma": gamma, "beta": beta, "W_u": W_u, "W_v": W_v, "b_v": b_v,
            "W_i": W_i, "b_i": b_i, "W_e": W_e}

def reference(feat, intend, last_nodes, position_weight, segment_ids, gamma, beta, W_u, W_v, b_v, W_i, b_i, W_e):
    num_segments = intend.shape[0]
    # BatchNorm1d (training-mode batch statistics, biased variance, eps=1e-5)
    mean = jnp.mean(feat, axis=0)
    var = jnp.var(feat, axis=0)
    feat_n = (feat - mean) / jnp.sqrt(var + 1e-5) * gamma + beta
    # feat_drop with p=0.0 is identity
    feat_u = feat_n @ W_u                      # [N, H]
    feat_v = intend @ W_v + b_v                # [B, H]
    feat_last = feat_n[last_nodes] @ W_i + b_i # [B, H]
    # broadcast_nodes == gather per-segment vectors to nodes
    e = jax.nn.sigmoid(feat_u + feat_v[segment_ids] + feat_last[segment_ids]) @ W_e  # [N, 1]
    # segment softmax over nodes within each segment
    m = jax.ops.segment_max(e, segment_ids, num_segments=num_segments)
    e_exp = jnp.exp(e - m[segment_ids])
    s = jax.ops.segment_sum(e_exp, segment_ids, num_segments=num_segments)
    alpha = e_exp / s[segment_ids]
    feat_norm = feat_n * alpha
    rst = jax.ops.segment_sum(feat_norm, segment_ids, num_segments=num_segments)
    # fc_out is None because output_dim == input_dim; activation is None
    pw = position_weight[:, None]
    position_rst = jax.ops.segment_sum(feat_n * pw, segment_ids, num_segments=num_segments).astype(jnp.float32)
    return (rst, position_rst)

if __name__ == "__main__":
    import jax
    _d = setup_inputs()
    print(jax.jit(kernel)(*tuple(_d.values())))

</pallas_src>

<mosaic_0001>
#map = affine_map<(d0, d1) -> (0, 0)>
#map1 = affine_map<(d0, d1) -> (0)>
module attributes {stable_mosaic.version = 14 : i64} {
  func.func @gather_k(%arg0: i32, %arg1: i32, %arg2: memref<100000x128xf32, #tpu.memory_space<hbm>>, %arg3: memref<1024xi32, #tpu.memory_space<hbm>>, %arg4: memref<1024x128xf32, #tpu.memory_space<hbm>>, %arg5: memref<32xi32, #tpu.memory_space<vmem>>, %arg6: memref<32x128xf32, #tpu.memory_space<vmem>>, %arg7: memref<!tpu.dma_semaphore, #tpu.memory_space<semaphore_mem>>) attributes {dimension_semantics = [#tpu.dimension_semantics<core_parallel>, #tpu.dimension_semantics<subcore_parallel>], iteration_bounds = array<i64: 2, 16>, scalar_prefetch = 0 : i64, scratch_operands = 3 : i64, tpu.core_type = #tpu.core_type<sc_vector_subcore>, window_params = [{transform_indices = #map}, {transform_indices = #map1}, {transform_indices = #map}]} {
    %mul3A = arith.constant 2 : i32
    %mul3A_0 = arith.muli %arg1, %mul3A : i32
    %add3A = arith.addi %mul3A_0, %arg0 : i32
    %mul3A_1 = arith.constant 32 : i32
    %mul3A_2 = arith.muli %add3A, %mul3A_1 : i32
    "tpu.region"() ({
      %run_scoped3A = tpu.sem_alloc : memref<!tpu.dma_semaphore, #tpu.memory_space<semaphore_mem>>
      %dma_start3A_7 = tpu.memref_slice %arg3[%mul3A_2] : memref<1024xi32, #tpu.memory_space<hbm>> -> memref<32xi32, #tpu.memory_space<hbm>>
      %dma_start3A_8 = tpu.memref_slice %arg3[%mul3A_2] : memref<1024xi32, #tpu.memory_space<hbm>> -> memref<32xi32, #tpu.memory_space<hbm>>
      tpu.enqueue_dma source(%dma_start3A_8 : memref<32xi32, #tpu.memory_space<hbm>>) target(%arg5 : memref<32xi32, #tpu.memory_space<vmem>>) target_semaphore(%run_scoped3A : memref<!tpu.dma_semaphore, #tpu.memory_space<semaphore_mem>>)
      %dma_wait3A_9 = tpu.memref_slice %arg3[%mul3A_2] : memref<1024xi32, #tpu.memory_space<hbm>> -> memref<32xi32, #tpu.memory_space<hbm>>
      %dma_wait3A_10 = tpu.memref_slice %arg3[%mul3A_2] : memref<1024xi32, #tpu.memory_space<hbm>> -> memref<32xi32, #tpu.memory_space<hbm>>
      tpu.wait_dma2 semaphore(%run_scoped3A : memref<!tpu.dma_semaphore, #tpu.memory_space<semaphore_mem>>) src(%dma_wait3A_10 : memref<32xi32, #tpu.memory_space<hbm>>) dst(%arg5 : memref<32xi32, #tpu.memory_space<vmem>>)
      tpu.yield
    }) : () -> ()
    %dma_start3A = arith.constant 0 : i32
    %dma_start3A_3 = arith.constant 0 : i32
    %dma_start3A_4 = tpu.memref_slice %arg2[%dma_start3A, %dma_start3A_3] : memref<100000x128xf32, #tpu.memory_space<hbm>> -> memref<100000x128xf32, #tpu.memory_space<hbm>>
    tpu.enqueue_indirect_dma source(%dma_start3A_4 : memref<100000x128xf32, #tpu.memory_space<hbm>>) target(%arg6 : memref<32x128xf32, #tpu.memory_space<vmem>>) offsets(%arg5 : memref<32xi32, #tpu.memory_space<vmem>>) semaphore(%arg7 : memref<!tpu.dma_semaphore, #tpu.memory_space<semaphore_mem>>)
    %dma_wait3A = arith.constant 0 : i32
    %dma_wait3A_5 = arith.constant 0 : i32
    %dma_wait3A_6 = tpu.memref_slice %arg2[%dma_wait3A, %dma_wait3A_5] : memref<100000x128xf32, #tpu.memory_space<hbm>> -> memref<100000x128xf32, #tpu.memory_space<hbm>>
    tpu.wait_indirect_dma semaphore(%arg7 : memref<!tpu.dma_semaphore, #tpu.memory_space<semaphore_mem>>) src(%dma_wait3A_6 : memref<100000x128xf32, #tpu.memory_space<hbm>>) dst(%arg6 : memref<32x128xf32, #tpu.memory_space<vmem>>)
    "tpu.region"() ({
      %run_scoped3A = tpu.sem_alloc : memref<!tpu.dma_semaphore, #tpu.memory_space<semaphore_mem>>
      %dma_start3A_7 = arith.constant 0 : i32
      %dma_start3A_8 = tpu.memref_slice %arg4[%mul3A_2, %dma_start3A_7] : memref<1024x128xf32, #tpu.memory_space<hbm>> -> memref<32x128xf32, #tpu.memory_space<hbm>>
      %dma_start3A_9 = arith.constant 0 : i32
      %dma_start3A_10 = tpu.memref_slice %arg4[%mul3A_2, %dma_start3A_9] : memref<1024x128xf32, #tpu.memory_space<hbm>> -> memref<32x128xf32, #tpu.memory_space<hbm>>
      tpu.enqueue_dma source(%arg6 : memref<32x128xf32, #tpu.memory_space<vmem>>) target(%dma_start3A_10 : memref<32x128xf32, #tpu.memory_space<hbm>>) target_semaphore(%run_scoped3A : memref<!tpu.dma_semaphore, #tpu.memory_space<semaphore_mem>>)
      %dma_wait3A_11 = arith.constant 0 : i32
      %dma_wait3A_12 = tpu.memref_slice %arg4[%mul3A_2, %dma_wait3A_11] : memref<1024x128xf32, #tpu.memory_space<hbm>> -> memref<32x128xf32, #tpu.memory_space<hbm>>
      %dma_wait3A_13 = arith.constant 0 : i32
      %dma_wait3A_14 = tpu.memref_slice %arg4[%mul3A_2, %dma_wait3A_13] : memref<1024x128xf32, #tpu.memory_space<hbm>> -> memref<32x128xf32, #tpu.memory_space<hbm>>
      tpu.wait_dma2 semaphore(%run_scoped3A : memref<!tpu.dma_semaphore, #tpu.memory_space<semaphore_mem>>) src(%arg6 : memref<32x128xf32, #tpu.memory_space<vmem>>) dst(%dma_wait3A_14 : memref<32x128xf32, #tpu.memory_space<hbm>>)
      tpu.yield
    }) : () -> ()
    return
  }
}

module attributes {stable_mosaic.version = 14 : i64} {
  func.func @_stats_body(%arg0: i32, %arg1: memref<2000x128xf32, #tpu.memory_space<vmem>>, %arg2: memref<1x128xf32, #tpu.memory_space<vmem>>, %arg3: memref<1x128xf32, #tpu.memory_space<vmem>>, %arg4: memref<2x128xf32, #tpu.memory_space<vmem>>, %arg5: memref<2x128xf32, #tpu.memory_space<vmem>>) attributes {dimension_semantics = [#tpu.dimension_semantics<arbitrary>], iteration_bounds = array<i64: 50>, scalar_prefetch = 0 : i64, scratch_operands = 1 : i64, tpu.core_type = #tpu.core_type<tc>, window_params = [{transform_indices = @transform_0, window_bounds = array<i64: 2000, 128>}, {pipeline_mode = #tpu.pipeline_mode<synchronous>, transform_indices = @transform_1, window_bounds = array<i64: 1, 128>}, {pipeline_mode = #tpu.pipeline_mode<synchronous>, transform_indices = @transform_2, window_bounds = array<i64: 1, 128>}, {pipeline_mode = #tpu.pipeline_mode<synchronous>, transform_indices = @transform_3, window_bounds = array<i64: 2, 128>}]} {
    %eq3A = arith.constant 0 : i32
    %eq3A_0 = arith.cmpi eq, %arg0, %eq3A : i32
    %convert_element_type3A = arith.extui %eq3A_0 : i1 to i32
    %cond3A = arith.constant 0 : i32
    %cond3A_1 = arith.cmpi ne, %convert_element_type3A, %cond3A : i32
    scf.if %cond3A_1 {
      %broadcast_in_dim3A_25 = arith.constant 0.000000e+00 : f32
      %broadcast_in_dim3A_26 = vector.broadcast %broadcast_in_dim3A_25 : f32 to vector<2x128xf32>
      %swap3A_27 = arith.constant 0 : index
      %swap3A_28 = arith.constant 0 : index
      %swap3A_29 = vector.load %arg5[%swap3A_27, %swap3A_28] : memref<2x128xf32, #tpu.memory_space<vmem>>, vector<2x128xf32>
      tpu.vector_store %arg5[%swap3A_27, %swap3A_28], %broadcast_in_dim3A_26 {strides = array<i32>} : memref<2x128xf32, #tpu.memory_space<vmem>>, vector<2x128xf32>,
    } else {
    }
    %get3A = arith.constant 0 : index
    %get3A_2 = arith.constant 0 : index
    %get3A_3 = vector.load %arg1[%get3A, %get3A_2] : memref<2000x128xf32, #tpu.memory_space<vmem>>, vector<2000x128xf32>
    %get3A_4 = arith.constant 0 : index
    %get3A_5 = arith.constant 0 : index
    %get3A_6 = vector.load %arg5[%get3A_4, %get3A_5] : memref<2x128xf32, #tpu.memory_space<vmem>>, vector<1x128xf32>
    %reduce_sum3A = arith.constant dense<0.000000e+00> : vector<128xf32>
    %reduce_sum3A_7 = vector.multi_reduction <add>, %get3A_3, %reduce_sum3A [0] : vector<2000x128xf32> to vector<128xf32>
    %broadcast_in_dim3A = vector.shape_cast %reduce_sum3A_7 : vector<128xf32> to vector<1x128xf32>
    %add3A = arith.addf %get3A_6, %broadcast_in_dim3A : vector<1x128xf32>
    %swap3A = arith.constant 0 : index
    %swap3A_8 = arith.constant 0 : index
    %swap3A_9 = vector.load %arg5[%swap3A, %swap3A_8] : memref<2x128xf32, #tpu.memory_space<vmem>>, vector<1x128xf32>
    tpu.vector_store %arg5[%swap3A, %swap3A_8], %add3A {strides = array<i32>} : memref<2x128xf32, #tpu.memory_space<vmem>>, vector<1x128xf32>,
    %get3A_10 = arith.constant 1 : index
    %get3A_11 = arith.constant 0 : index
    %get3A_12 = vector.load %arg5[%get3A_10, %get3A_11] : memref<2x128xf32, #tpu.memory_space<vmem>>, vector<1x128xf32>
    %mul3A = arith.mulf %get3A_3, %get3A_3 : vector<2000x128xf32>
    %reduce_sum3A_13 = arith.constant dense<0.000000e+00> : vector<128xf32>
    %reduce_sum3A_14 = vector.multi_reduction <add>, %mul3A, %reduce_sum3A_13 [0] : vector<2000x128xf32> to vector<128xf32>
    %broadcast_in_dim3A_15 = vector.shape_cast %reduce_sum3A_14 : vector<128xf32> to vector<1x128xf32>
    %add3A_16 = arith.addf %get3A_12, %broadcast_in_dim3A_15 : vector<1x128xf32>
    %swap3A_17 = arith.constant 1 : index
    %swap3A_18 = arith.constant 0 : index
    %swap3A_19 = vector.load %arg5[%swap3A_17, %swap3A_18] : memref<2x128xf32, #tpu.memory_space<vmem>>, vector<1x128xf32>
    tpu.vector_store %arg5[%swap3A_17, %swap3A_18], %add3A_16 {strides = array<i32>} : memref<2x128xf32, #tpu.memory_space<vmem>>, vector<1x128xf32>,
    %eq3A_20 = arith.constant 49 : i32
    %eq3A_21 = arith.cmpi eq, %arg0, %eq3A_20 : i32
    %convert_element_type3A_22 = arith.extui %eq3A_21 : i1 to i32
    %cond3A_23 = arith.constant 0 : i32
    %cond3A_24 = arith.cmpi ne, %convert_element_type3A_22, %cond3A_23 : i32
    scf.if %cond3A_24 {
      %get3A_25 = arith.constant 0 : index
      %get3A_26 = arith.constant 0 : index
      %get3A_27 = vector.load %arg5[%get3A_25, %get3A_26] : memref<2x128xf32, #tpu.memory_space<vmem>>, vector<1x128xf32>
      %mul3A_28 = arith.constant 9.99999974E-6 : f32
      %mul3A_29 = vector.broadcast %mul3A_28 : f32 to vector<1x128xf32>
      %mul3A_30 = arith.mulf %get3A_27, %mul3A_29 : vector<1x128xf32>
      %get3A_31 = arith.constant 1 : index
      %get3A_32 = arith.constant 0 : index
      %get3A_33 = vector.load %arg5[%get3A_31, %get3A_32] : memref<2x128xf32, #tpu.memory_space<vmem>>, vector<1x128xf32>
      %mul3A_34 = arith.constant 9.99999974E-6 : f32
      %mul3A_35 = vector.broadcast %mul3A_34 : f32 to vector<1x128xf32>
      %mul3A_36 = arith.mulf %get3A_33, %mul3A_35 : vector<1x128xf32>
      %mul3A_37 = arith.mulf %mul3A_30, %mul3A_30 : vector<1x128xf32>
      %sub3A = arith.subf %mul3A_36, %mul3A_37 : vector<1x128xf32>
      %get3A_38 = arith.constant 0 : index
      %get3A_39 = arith.constant 0 : index
      %get3A_40 = vector.load %arg2[%get3A_38, %get3A_39] : memref<1x128xf32, #tpu.memory_space<vmem>>, vector<1x128xf32>
      %add3A_41 = arith.constant 9.99999974E-6 : f32
      %add3A_42 = vector.broadcast %add3A_41 : f32 to vector<1x128xf32>
      %add3A_43 = arith.addf %sub3A, %add3A_42 : vector<1x128xf32>
      %rsqrt3A = math.rsqrt %add3A_43 : vector<1x128xf32>
      %mul3A_44 = arith.mulf %get3A_40, %rsqrt3A : vector<1x128xf32>
      %swap3A_45 = arith.constant 0 : index
      %swap3A_46 = arith.constant 0 : index
      %swap3A_47 = vector.load %arg4[%swap3A_45, %swap3A_46] : memref<2x128xf32, #tpu.memory_space<vmem>>, vector<1x128xf32>
      tpu.vector_store %arg4[%swap3A_45, %swap3A_46], %mul3A_44 {strides = array<i32>} : memref<2x128xf32, #tpu.memory_space<vmem>>, vector<1x128xf32>,
      %get3A_48 = arith.constant 0 : index
      %get3A_49 = arith.constant 0 : index
      %get3A_50 = vector.load %arg3[%get3A_48, %get3A_49] : memref<1x128xf32, #tpu.memory_space<vmem>>, vector<1x128xf32>
      %mul3A_51 = arith.mulf %mul3A_30, %mul3A_44 : vector<1x128xf32>
      %sub3A_52 = arith.subf %get3A_50, %mul3A_51 : vector<1x128xf32>
      %swap3A_53 = arith.constant 1 : index
      %swap3A_54 = arith.constant 0 : index
      %swap3A_55 = vector.load %arg4[%swap3A_53, %swap3A_54] : memref<2x128xf32, #tpu.memory_space<vmem>>, vector<1x128xf32>
      tpu.vector_store %arg4[%swap3A_53, %swap3A_54], %sub3A_52 {strides = array<i32>} : memref<2x128xf32, #tpu.memory_space<vmem>>, vector<1x128xf32>,
    } else {
    }
    return
  }
  func.func @transform_0(%arg0: i32) -> (i32, i32) {
    %c0_i32 = arith.constant 0 : i32
    %c0_i32_0 = arith.constant 0 : i32
    return %arg0, %c0_i32 : i32, i32
  }
  func.func @transform_1(%arg0: i32) -> (i32, i32) {
    %c0_i32 = arith.constant 0 : i32
    %c0_i32_0 = arith.constant 0 : i32
    %c0_i32_1 = arith.constant 0 : i32
    return %c0_i32, %c0_i32_0 : i32, i32
  }
  func.func @transform_2(%arg0: i32) -> (i32, i32) {
    %c0_i32 = arith.constant 0 : i32
    %c0_i32_0 = arith.constant 0 : i32
    %c0_i32_1 = arith.constant 0 : i32
    return %c0_i32, %c0_i32_0 : i32, i32
  }
  func.func @transform_3(%arg0: i32) -> (i32, i32) {
    %c0_i32 = arith.constant 0 : i32
    %c0_i32_0 = arith.constant 0 : i32
    %c0_i32_1 = arith.constant 0 : i32
    return %c0_i32, %c0_i32_0 : i32, i32
  }
}

module attributes {stable_mosaic.version = 14 : i64} {
  func.func @_q_body(%arg0: memref<1024x128xf32, #tpu.memory_space<vmem>>, %arg1: memref<1024x128xf32, #tpu.memory_space<vmem>>, %arg2: memref<2x128xf32, #tpu.memory_space<vmem>>, %arg3: memref<128x128xf32, #tpu.memory_space<vmem>>, %arg4: memref<1x128xf32, #tpu.memory_space<vmem>>, %arg5: memref<128x128xf32, #tpu.memory_space<vmem>>, %arg6: memref<1x128xf32, #tpu.memory_space<vmem>>, %arg7: memref<1152x128xbf16, #tpu.memory_space<vmem>>) attributes {dimension_semantics = [], scalar_prefetch = 0 : i64, scratch_operands = 0 : i64, tpu.core_type = #tpu.core_type<tc>} {
    %get3A = arith.constant 0 : index
    %get3A_0 = arith.constant 0 : index
    %get3A_1 = vector.load %arg0[%get3A, %get3A_0] : memref<1024x128xf32, #tpu.memory_space<vmem>>, vector<1024x128xf32>
    %get3A_2 = arith.constant 0 : index
    %get3A_3 = arith.constant 0 : index
    %get3A_4 = vector.load %arg2[%get3A_2, %get3A_3] : memref<2x128xf32, #tpu.memory_space<vmem>>, vector<1x128xf32>
    %mul3A = vector.broadcast %get3A_4 : vector<1x128xf32> to vector<1024x128xf32>
    %mul3A_5 = arith.mulf %get3A_1, %mul3A : vector<1024x128xf32>
    %get3A_6 = arith.constant 1 : index
    %get3A_7 = arith.constant 0 : index
    %get3A_8 = vector.load %arg2[%get3A_6, %get3A_7] : memref<2x128xf32, #tpu.memory_space<vmem>>, vector<1x128xf32>
    %add3A = vector.broadcast %get3A_8 : vector<1x128xf32> to vector<1024x128xf32>
    %add3A_9 = arith.addf %mul3A_5, %add3A : vector<1024x128xf32>
    %broadcast_in_dim3A = arith.constant 0.000000e+00 : bf16
    %broadcast_in_dim3A_10 = vector.broadcast %broadcast_in_dim3A : bf16 to vector<1152x128xbf16>
    %swap3A = arith.constant 0 : index
    %swap3A_11 = arith.constant 0 : index
    %swap3A_12 = vector.load %arg7[%swap3A, %swap3A_11] : memref<1152x128xbf16, #tpu.memory_space<vmem>>, vector<1152x128xbf16>
    tpu.vector_store %arg7[%swap3A, %swap3A_11], %broadcast_in_dim3A_10 {strides = array<i32>} : memref<1152x128xbf16, #tpu.memory_space<vmem>>, vector<1152x128xbf16>,
    %get3A_13 = arith.constant 0 : index
    %get3A_14 = arith.constant 0 : index
    %get3A_15 = vector.load %arg1[%get3A_13, %get3A_14] : memref<1024x128xf32, #tpu.memory_space<vmem>>, vector<1024x128xf32>
    %get3A_16 = arith.constant 0 : index
    %get3A_17 = arith.constant 0 : index
    %get3A_18 = vector.load %arg3[%get3A_16, %get3A_17] : memref<128x128xf32, #tpu.memory_space<vmem>>, vector<128x128xf32>
    %dot_general3A = arith.constant dense<0.000000e+00> : vector<1024x128xf32>
    %dot_general3A_19 = tpu.matmul %get3A_15, %get3A_18, %dot_general3A {dimension_numbers = #tpu.dot_dimension_numbers<[1], [0], [0], [1], [0, 0, 1, 1], [], []>, transpose_lhs_hint = false} : vector<1024x128xf32>, vector<128x128xf32>, vector<1024x128xf32> -> vector<1024x128xf32>
    %get3A_20 = arith.constant 0 : index
    %get3A_21 = arith.constant 0 : index
    %get3A_22 = vector.load %arg4[%get3A_20, %get3A_21] : memref<1x128xf32, #tpu.memory_space<vmem>>, vector<1x128xf32>
    %add3A_23 = vector.broadcast %get3A_22 : vector<1x128xf32> to vector<1024x128xf32>
    %add3A_24 = arith.addf %dot_general3A_19, %add3A_23 : vector<1024x128xf32>
    %get3A_25 = arith.constant 0 : index
    %get3A_26 = arith.constant 0 : index
    %get3A_27 = vector.load %arg5[%get3A_25, %get3A_26] : memref<128x128xf32, #tpu.memory_space<vmem>>, vector<128x128xf32>
    %dot_general3A_28 = arith.constant dense<0.000000e+00> : vector<1024x128xf32>
    %dot_general3A_29 = tpu.matmul %add3A_9, %get3A_27, %dot_general3A_28 {dimension_numbers = #tpu.dot_dimension_numbers<[1], [0], [0], [1], [0, 0, 1, 1], [], []>, transpose_lhs_hint = false} : vector<1024x128xf32>, vector<128x128xf32>, vector<1024x128xf32> -> vector<1024x128xf32>
    %add3A_30 = arith.addf %add3A_24, %dot_general3A_29 : vector<1024x128xf32>
    %get3A_31 = arith.constant 0 : index
    %get3A_32 = arith.constant 0 : index
    %get3A_33 = vector.load %arg6[%get3A_31, %get3A_32] : memref<1x128xf32, #tpu.memory_space<vmem>>, vector<1x128xf32>
    %add3A_34 = vector.broadcast %get3A_33 : vector<1x128xf32> to vector<1024x128xf32>
    %add3A_35 = arith.addf %add3A_30, %add3A_34 : vector<1024x128xf32>
    %convert_element_type3A = arith.truncf %add3A_35 : vector<1024x128xf32> to vector<1024x128xbf16>
    %swap3A_36 = arith.constant 0 : index
    %swap3A_37 = arith.constant 0 : index
    %swap3A_38 = vector.load %arg7[%swap3A_36, %swap3A_37] : memref<1152x128xbf16, #tpu.memory_space<vmem>>, vector<1024x128xbf16>
    tpu.vector_store %arg7[%swap3A_36, %swap3A_37], %convert_element_type3A {strides = array<i32>} : memref<1152x128xbf16, #tpu.memory_space<vmem>>, vector<1024x128xbf16>,
    return
  }
}

module attributes {stable_mosaic.version = 14 : i64} {
  func.func @_main_body(%arg0: i32, %arg1: memref<25xi32, #tpu.memory_space<smem>>, %arg2: memref<25xi32, #tpu.memory_space<smem>>, %arg3: memref<1x1x4000xi32, #tpu.memory_space<vmem>>, %arg4: memref<1x4000x1xf32, #tpu.memory_space<vmem>>, %arg5: memref<4000x128xf32, #tpu.memory_space<vmem>>, %arg6: memref<2x128xf32, #tpu.memory_space<vmem>>, %arg7: memref<1152x128xbf16, #tpu.memory_space<vmem>>, %arg8: memref<128x128xf32, #tpu.memory_space<vmem>>, %arg9: memref<128x1xf32, #tpu.memory_space<vmem>>, %arg10: memref<1024x128xf32, #tpu.memory_space<vmem>>, %arg11: memref<1024x128xf32, #tpu.memory_space<vmem>>, %arg12: memref<1152x384xf32, #tpu.memory_space<vmem>>) attributes {dimension_semantics = [#tpu.dimension_semantics<arbitrary>], iteration_bounds = array<i64: 25>, scalar_prefetch = 2 : i64, scratch_operands = 1 : i64, tpu.core_type = #tpu.core_type<tc>, window_params = [{transform_indices = @transform_0, window_bounds = array<i64: 1, 1, 4000>}, {transform_indices = @transform_1, window_bounds = array<i64: 1, 4000, 1>}, {transform_indices = @transform_2, window_bounds = array<i64: 4000, 128>}, {pipeline_mode = #tpu.pipeline_mode<synchronous>, transform_indices = @transform_3, window_bounds = array<i64: 2, 128>}, {pipeline_mode = #tpu.pipeline_mode<synchronous>, transform_indices = @transform_4, window_bounds = array<i64: 1152, 128>}, {pipeline_mode = #tpu.pipeline_mode<synchronous>, transform_indices = @transform_5, window_bounds = array<i64: 128, 128>}, {pipeline_mode = #tpu.pipeline_mode<synchronous>, transform_indices = @transform_6, window_bounds = array<i64: 128, 1>}, {pipeline_mode = #tpu.pipeline_mode<synchronous>, transform_indices = @transform_7, window_bounds = array<i64: 1024, 128>}, {pipeline_mode = #tpu.pipeline_mode<synchronous>, transform_indices = @transform_8, window_bounds = array<i64: 1024, 128>}]} {
    %eq3A = arith.constant 0 : i32
    %eq3A_0 = arith.cmpi eq, %arg0, %eq3A : i32
    %convert_element_type3A = arith.extui %eq3A_0 : i1 to i32
    %cond3A = arith.constant 0 : i32
    %cond3A_1 = arith.cmpi ne, %convert_element_type3A, %cond3A : i32
    scf.if %cond3A_1 {
      %broadcast_in_dim3A = arith.constant 0.000000e+00 : f32
      %broadcast_in_dim3A_64 = vector.broadcast %broadcast_in_dim3A : f32 to vector<1152x384xf32>
      %swap3A = arith.constant 0 : index
      %swap3A_65 = arith.constant 0 : index
      %swap3A_66 = vector.load %arg12[%swap3A, %swap3A_65] : memref<1152x384xf32, #tpu.memory_space<vmem>>, vector<1152x384xf32>
      tpu.vector_store %arg12[%swap3A, %swap3A_65], %broadcast_in_dim3A_64 {strides = array<i32>} : memref<1152x384xf32, #tpu.memory_space<vmem>>, vector<1152x384xf32>,
    } else {
    }
    %get3A = arith.constant 0 : index
    %get3A_2 = arith.constant 0 : index
    %get3A_3 = vector.load %arg5[%get3A, %get3A_2] : memref<4000x128xf32, #tpu.memory_space<vmem>>, vector<4000x128xf32>
    %get3A_4 = arith.constant 0 : index
    %get3A_5 = arith.constant 0 : index
    %get3A_6 = vector.load %arg6[%get3A_4, %get3A_5] : memref<2x128xf32, #tpu.memory_space<vmem>>, vector<1x128xf32>
    %mul3A = vector.broadcast %get3A_6 : vector<1x128xf32> to vector<4000x128xf32>
    %mul3A_7 = arith.mulf %get3A_3, %mul3A : vector<4000x128xf32>
    %get3A_8 = arith.constant 1 : index
    %get3A_9 = arith.constant 0 : index
    %get3A_10 = vector.load %arg6[%get3A_8, %get3A_9] : memref<2x128xf32, #tpu.memory_space<vmem>>, vector<1x128xf32>
    %add3A = vector.broadcast %get3A_10 : vector<1x128xf32> to vector<4000x128xf32>
    %add3A_11 = arith.addf %mul3A_7, %add3A : vector<4000x128xf32>
    %convert_element_type3A_12 = arith.truncf %add3A_11 : vector<4000x128xf32> to vector<4000x128xbf16>
    %get3A_13 = arith.constant 0 : index
    %get3A_14 = arith.constant 0 : index
    %get3A_15 = vector.load %arg8[%get3A_13, %get3A_14] : memref<128x128xf32, #tpu.memory_space<vmem>>, vector<128x128xf32>
    %convert_element_type3A_16 = arith.truncf %get3A_15 : vector<128x128xf32> to vector<128x128xbf16>
    %dot_general3A = arith.constant dense<0.000000e+00> : vector<4000x128xf32>
    %dot_general3A_17 = tpu.matmul %convert_element_type3A_12, %convert_element_type3A_16, %dot_general3A {dimension_numbers = #tpu.dot_dimension_numbers<[1], [0], [0], [1], [0, 0, 1, 1], [], []>, transpose_lhs_hint = false} : vector<4000x128xbf16>, vector<128x128xbf16>, vector<4000x128xf32> -> vector<4000x128xf32>
    %get3A_18 = arith.constant 0 : index
    %get3A_19 = arith.constant 0 : index
    %get3A_20 = arith.constant 0 : index
    %get3A_21 = vector.load %arg3[%get3A_18, %get3A_19, %get3A_20] : memref<1x1x4000xi32, #tpu.memory_space<vmem>>, vector<1x1x4000xi32>
    %get3A_22 = vector.shape_cast %get3A_21 : vector<1x1x4000xi32> to vector<1x4000xi32>
    %get3A_23 = arith.constant 0 : index
    %get3A_24 = arith.constant 0 : index
    %get3A_25 = arith.constant 0 : index
    %get3A_26 = vector.load %arg4[%get3A_23, %get3A_24, %get3A_25] : memref<1x4000x1xf32, #tpu.memory_space<vmem>>, vector<1x4000x1xf32>
    %get3A_27 = vector.shape_cast %get3A_26 : vector<1x4000x1xf32> to vector<4000x1xf32>
    %get3A_28 = arith.index_cast %arg0 : i32 to index
    %get3A_29 = memref.load %arg1[%get3A_28] : memref<25xi32, #tpu.memory_space<smem>>
    %jit3A = arith.constant 8 : i32
    %div3A = arith.divsi %get3A_29, %jit3A : i32
    %sign3A = arith.constant 0 : i32
    %sign3A_30 = arith.cmpi sgt, %get3A_29, %sign3A : i32
    %sign3A_31 = arith.extui %sign3A_30 : i1 to i32
    %sign3A_32 = arith.constant 0 : i32
    %sign3A_33 = arith.cmpi slt, %get3A_29, %sign3A_32 : i32
    %sign3A_34 = arith.extui %sign3A_33 : i1 to i32
    %sign3A_35 = arith.subi %sign3A_31, %sign3A_34 : i32
    %sign3A_36 = arith.constant 0 : i32
    %sign3A_37 = arith.cmpi sgt, %jit3A, %sign3A_36 : i32
    %sign3A_38 = arith.extui %sign3A_37 : i1 to i32
    %sign3A_39 = arith.constant 0 : i32
    %sign3A_40 = arith.cmpi slt, %jit3A, %sign3A_39 : i32
    %sign3A_41 = arith.extui %sign3A_40 : i1 to i32
    %sign3A_42 = arith.subi %sign3A_38, %sign3A_41 : i32
    %ne3A = arith.cmpi ne, %sign3A_35, %sign3A_42 : i32
    %rem3A = arith.remsi %get3A_29, %jit3A : i32
    %ne3A_43 = arith.constant 0 : i32
    %ne3A_44 = arith.cmpi ne, %rem3A, %ne3A_43 : i32
    %and3A = arith.andi %ne3A, %ne3A_44 : i1
    %sub3A = arith.constant 1 : i32
    %sub3A_45 = arith.subi %div3A, %sub3A : i32
    %select_n3A = arith.select %and3A, %sub3A_45, %div3A : i32
    %mul3A_46 = arith.constant 8 : i32
    %mul3A_47 = arith.muli %select_n3A, %mul3A_46 : i32
    %get3A_48 = arith.index_cast %arg0 : i32 to index
    %get3A_49 = memref.load %arg2[%get3A_48] : memref<25xi32, #tpu.memory_space<smem>>
    %sub3A_50 = arith.subi %get3A_49, %mul3A_47 : i32
    %lt3A = arith.constant 127 : i32
    %lt3A_51 = arith.cmpi slt, %sub3A_50, %lt3A : i32
    %convert_element_type3A_52 = arith.extui %lt3A_51 : i1 to i32
    %cond3A_53 = arith.constant 0 : i32
    %cond3A_54 = arith.cmpi ne, %convert_element_type3A_52, %cond3A_53 : i32
    scf.if %cond3A_54 {
      %iota3A = tpu.iota {dimensions = array<i32: 0>} : vector<128x4000xi32>
      %sub3A_64 = vector.broadcast %mul3A_47 : i32 to vector<1x4000xi32>
      %sub3A_65 = arith.subi %get3A_22, %sub3A_64 : vector<1x4000xi32>
      %broadcast_in_dim3A = vector.shape_cast %sub3A_65 : vector<1x4000xi32> to vector<1x4000xi32>
      %broadcast_in_dim3A_66 = vector.broadcast %broadcast_in_dim3A : vector<1x4000xi32> to vector<128x4000xi32>
      %eq3A_67 = arith.cmpi eq, %iota3A, %broadcast_in_dim3A_66 : vector<128x4000xi32>
      %convert_element_type3A_68 = arith.extui %eq3A_67 : vector<128x4000xi1> to vector<128x4000xi32>
      %convert_element_type3A_69 = arith.sitofp %convert_element_type3A_68 : vector<128x4000xi32> to vector<128x4000xf32>
      %convert_element_type3A_70 = arith.truncf %convert_element_type3A_69 : vector<128x4000xf32> to vector<128x4000xbf16>
      %get3A_71 = arith.index_cast %mul3A_47 : i32 to index
      %get3A_72 = arith.constant 0 : index
      %get3A_73 = vector.load %arg7[%get3A_71, %get3A_72] : memref<1152x128xbf16, #tpu.memory_space<vmem>>, vector<128x128xbf16>
      %dot_general3A_74 = arith.constant dense<0.000000e+00> : vector<4000x128xf32>
      %dot_general3A_75 = tpu.matmul %convert_element_type3A_70, %get3A_73, %dot_general3A_74 {dimension_numbers = #tpu.dot_dimension_numbers<[0], [0], [1], [1], [0, 1, 1, 1], [], []>, transpose_lhs_hint = false} : vector<128x4000xbf16>, vector<128x128xbf16>, vector<4000x128xf32> -> vector<4000x128xf32>
      %add3A_76 = arith.addf %dot_general3A_17, %dot_general3A_75 : vector<4000x128xf32>
      %logistic3A = arith.negf %add3A_76 : vector<4000x128xf32>
      %logistic3A_77 = math.exp %logistic3A : vector<4000x128xf32>
      %logistic3A_78 = arith.constant 1.000000e+00 : f32
      %logistic3A_79 = vector.broadcast %logistic3A_78 : f32 to vector<4000x128xf32>
      %logistic3A_80 = arith.addf %logistic3A_79, %logistic3A_77 : vector<4000x128xf32>
      %logistic3A_81 = arith.divf %logistic3A_79, %logistic3A_80 : vector<4000x128xf32>
      %get3A_82 = arith.constant 0 : index
      %get3A_83 = arith.constant 0 : index
      %get3A_84 = vector.load %arg9[%get3A_82, %get3A_83] : memref<128x1xf32, #tpu.memory_space<vmem>>, vector<128x1xf32>
      %dot_general3A_85 = arith.constant dense<0.000000e+00> : vector<4000x1xf32>
      %dot_general3A_86 = tpu.matmul %logistic3A_81, %get3A_84, %dot_general3A_85 {dimension_numbers = #tpu.dot_dimension_numbers<[1], [0], [0], [1], [0, 0, 1, 1], [], []>, transpose_lhs_hint = false} : vector<4000x128xf32>, vector<128x1xf32>, vector<4000x1xf32> -> vector<4000x1xf32>
      %exp3A = math.exp %dot_general3A_86 : vector<4000x1xf32>
      %broadcast_in_dim3A_87 = vector.shape_cast %exp3A : vector<4000x1xf32> to vector<4000x1xf32>
      %broadcast_in_dim3A_88 = vector.broadcast %broadcast_in_dim3A_87 : vector<4000x1xf32> to vector<4000x128xf32>
      %mul3A_89 = vector.broadcast %exp3A : vector<4000x1xf32> to vector<4000x128xf32>
      %mul3A_90 = arith.mulf %add3A_11, %mul3A_89 : vector<4000x128xf32>
      %mul3A_91 = vector.broadcast %get3A_27 : vector<4000x1xf32> to vector<4000x128xf32>
      %mul3A_92 = arith.mulf %add3A_11, %mul3A_91 : vector<4000x128xf32>
      %concatenate3A = tpu.concatenate %mul3A_90, %mul3A_92, %broadcast_in_dim3A_88 in 1 : vector<4000x128xf32>, vector<4000x128xf32>, vector<4000x128xf32> -> vector<4000x384xf32>
      %convert_element_type3A_93 = arith.truncf %concatenate3A : vector<4000x384xf32> to vector<4000x384xbf16>
      %dot_general3A_94 = arith.constant dense<0.000000e+00> : vector<128x384xf32>
      %dot_general3A_95 = tpu.matmul %convert_element_type3A_70, %convert_element_type3A_93, %dot_general3A_94 {dimension_numbers = #tpu.dot_dimension_numbers<[1], [0], [0], [1], [0, 0, 1, 1], [], []>, transpose_lhs_hint = false} : vector<128x4000xbf16>, vector<4000x384xbf16>, vector<128x384xf32> -> vector<128x384xf32>
      %get3A_96 = arith.index_cast %mul3A_47 : i32 to index
      %get3A_97 = arith.constant 0 : index
      %get3A_98 = vector.load %arg12[%get3A_96, %get3A_97] : memref<1152x384xf32, #tpu.memory_space<vmem>>, vector<128x384xf32>
      %add3A_99 = arith.addf %get3A_98, %dot_general3A_95 : vector<128x384xf32>
      %swap3A = arith.index_cast %mul3A_47 : i32 to index
      %swap3A_100 = arith.constant 0 : index
      %swap3A_101 = vector.load %arg12[%swap3A, %swap3A_100] : memref<1152x384xf32, #tpu.memory_space<vmem>>, vector<128x384xf32>
      tpu.vector_store %arg12[%swap3A, %swap3A_100], %add3A_99 {strides = array<i32>} : memref<1152x384xf32, #tpu.memory_space<vmem>>, vector<128x384xf32>,
    } else {
    }
    %not3A = arith.constant true
    %not3A_55 = arith.xori %lt3A_51, %not3A : i1
    %convert_element_type3A_56 = arith.extui %not3A_55 : i1 to i32
    %cond3A_57 = arith.constant 0 : i32
    %cond3A_58 = arith.cmpi ne, %convert_element_type3A_56, %cond3A_57 : i32
    scf.if %cond3A_58 {
      %iota3A = tpu.iota {dimensions = array<i32: 0>} : vector<1024x4000xi32>
      %broadcast_in_dim3A = vector.shape_cast %get3A_22 : vector<1x4000xi32> to vector<1x4000xi32>
      %broadcast_in_dim3A_64 = vector.broadcast %broadcast_in_dim3A : vector<1x4000xi32> to vector<1024x4000xi32>
      %eq3A_65 = arith.cmpi eq, %iota3A, %broadcast_in_dim3A_64 : vector<1024x4000xi32>
      %convert_element_type3A_66 = arith.extui %eq3A_65 : vector<1024x4000xi1> to vector<1024x4000xi32>
      %convert_element_type3A_67 = arith.sitofp %convert_element_type3A_66 : vector<1024x4000xi32> to vector<1024x4000xf32>
      %convert_element_type3A_68 = arith.truncf %convert_element_type3A_67 : vector<1024x4000xf32> to vector<1024x4000xbf16>
      %get3A_69 = arith.constant 0 : index
      %get3A_70 = arith.constant 0 : index
      %get3A_71 = vector.load %arg7[%get3A_69, %get3A_70] : memref<1152x128xbf16, #tpu.memory_space<vmem>>, vector<1024x128xbf16>
      %dot_general3A_72 = arith.constant dense<0.000000e+00> : vector<4000x128xf32>
      %dot_general3A_73 = tpu.matmul %convert_element_type3A_68, %get3A_71, %dot_general3A_72 {dimension_numbers = #tpu.dot_dimension_numbers<[0], [0], [1], [1], [0, 1, 1, 1], [], []>, transpose_lhs_hint = false} : vector<1024x4000xbf16>, vector<1024x128xbf16>, vector<4000x128xf32> -> vector<4000x128xf32>
      %add3A_74 = arith.addf %dot_general3A_17, %dot_general3A_73 : vector<4000x128xf32>
      %logistic3A = arith.negf %add3A_74 : vector<4000x128xf32>
      %logistic3A_75 = math.exp %logistic3A : vector<4000x128xf32>
      %logistic3A_76 = arith.constant 1.000000e+00 : f32
      %logistic3A_77 = vector.broadcast %logistic3A_76 : f32 to vector<4000x128xf32>
      %logistic3A_78 = arith.addf %logistic3A_77, %logistic3A_75 : vector<4000x128xf32>
      %logistic3A_79 = arith.divf %logistic3A_77, %logistic3A_78 : vector<4000x128xf32>
      %get3A_80 = arith.constant 0 : index
      %get3A_81 = arith.constant 0 : index
      %get3A_82 = vector.load %arg9[%get3A_80, %get3A_81] : memref<128x1xf32, #tpu.memory_space<vmem>>, vector<128x1xf32>
      %dot_general3A_83 = arith.constant dense<0.000000e+00> : vector<4000x1xf32>
      %dot_general3A_84 = tpu.matmul %logistic3A_79, %get3A_82, %dot_general3A_83 {dimension_numbers = #tpu.dot_dimension_numbers<[1], [0], [0], [1], [0, 0, 1, 1], [], []>, transpose_lhs_hint = false} : vector<4000x128xf32>, vector<128x1xf32>, vector<4000x1xf32> -> vector<4000x1xf32>
      %exp3A = math.exp %dot_general3A_84 : vector<4000x1xf32>
      %broadcast_in_dim3A_85 = vector.shape_cast %exp3A : vector<4000x1xf32> to vector<4000x1xf32>
      %broadcast_in_dim3A_86 = vector.broadcast %broadcast_in_dim3A_85 : vector<4000x1xf32> to vector<4000x128xf32>
      %mul3A_87 = vector.broadcast %exp3A : vector<4000x1xf32> to vector<4000x128xf32>
      %mul3A_88 = arith.mulf %add3A_11, %mul3A_87 : vector<4000x128xf32>
      %mul3A_89 = vector.broadcast %get3A_27 : vector<4000x1xf32> to vector<4000x128xf32>
      %mul3A_90 = arith.mulf %add3A_11, %mul3A_89 : vector<4000x128xf32>
      %concatenate3A = tpu.concatenate %mul3A_88, %mul3A_90, %broadcast_in_dim3A_86 in 1 : vector<4000x128xf32>, vector<4000x128xf32>, vector<4000x128xf32> -> vector<4000x384xf32>
      %convert_element_type3A_91 = arith.truncf %concatenate3A : vector<4000x384xf32> to vector<4000x384xbf16>
      %dot_general3A_92 = arith.constant dense<0.000000e+00> : vector<1024x384xf32>
      %dot_general3A_93 = tpu.matmul %convert_element_type3A_68, %convert_element_type3A_91, %dot_general3A_92 {dimension_numbers = #tpu.dot_dimension_numbers<[1], [0], [0], [1], [0, 0, 1, 1], [], []>, transpose_lhs_hint = false} : vector<1024x4000xbf16>, vector<4000x384xbf16>, vector<1024x384xf32> -> vector<1024x384xf32>
      %get3A_94 = arith.constant 0 : index
      %get3A_95 = arith.constant 0 : index
      %get3A_96 = vector.load %arg12[%get3A_94, %get3A_95] : memref<1152x384xf32, #tpu.memory_space<vmem>>, vector<1024x384xf32>
      %add3A_97 = arith.addf %get3A_96, %dot_general3A_93 : vector<1024x384xf32>
      %swap3A = arith.constant 0 : index
      %swap3A_98 = arith.constant 0 : index
      %swap3A_99 = vector.load %arg12[%swap3A, %swap3A_98] : memref<1152x384xf32, #tpu.memory_space<vmem>>, vector<1024x384xf32>
      tpu.vector_store %arg12[%swap3A, %swap3A_98], %add3A_97 {strides = array<i32>} : memref<1152x384xf32, #tpu.memory_space<vmem>>, vector<1024x384xf32>,
    } else {
    }
    %eq3A_59 = arith.constant 24 : i32
    %eq3A_60 = arith.cmpi eq, %arg0, %eq3A_59 : i32
    %convert_element_type3A_61 = arith.extui %eq3A_60 : i1 to i32
    %cond3A_62 = arith.constant 0 : i32
    %cond3A_63 = arith.cmpi ne, %convert_element_type3A_61, %cond3A_62 : i32
    scf.if %cond3A_63 {
      %get3A_64 = arith.constant 0 : index
      %get3A_65 = arith.constant 0 : index
      %get3A_66 = vector.load %arg12[%get3A_64, %get3A_65] : memref<1152x384xf32, #tpu.memory_space<vmem>>, vector<1024x384xf32>
      %slice3A = vector.extract_strided_slice %get3A_66 {offsets = [0, 256], sizes = [1024, 1], strides = [1, 1]} : vector<1024x384xf32> to vector<1024x1xf32>
      %gt3A = arith.constant 0.000000e+00 : f32
      %gt3A_67 = vector.broadcast %gt3A : f32 to vector<1024x1xf32>
      %gt3A_68 = arith.cmpf ogt, %slice3A, %gt3A_67 : vector<1024x1xf32>
      %slice3A_69 = vector.extract_strided_slice %get3A_66 {offsets = [0, 0], sizes = [1024, 128], strides = [1, 1]} : vector<1024x384xf32> to vector<1024x128xf32>
      %div3A_70 = vector.broadcast %slice3A : vector<1024x1xf32> to vector<1024x128xf32>
      %div3A_71 = arith.divf %slice3A_69, %div3A_70 : vector<1024x128xf32>
      %jit3A_72 = arith.constant 0.000000e+00 : f32
      %broadcast_in_dim3A = vector.shape_cast %gt3A_68 : vector<1024x1xi1> to vector<1024x1xi1>
      %broadcast_in_dim3A_73 = vector.broadcast %broadcast_in_dim3A : vector<1024x1xi1> to vector<1024x128xi1>
      %broadcast_in_dim3A_74 = vector.broadcast %jit3A_72 : f32 to vector<1024x128xf32>
      %select_n3A_75 = arith.select %broadcast_in_dim3A_73, %div3A_71, %broadcast_in_dim3A_74 : vector<1024x128xi1>, vector<1024x128xf32>
      %swap3A = arith.constant 0 : index
      %swap3A_76 = arith.constant 0 : index
      %swap3A_77 = vector.load %arg10[%swap3A, %swap3A_76] : memref<1024x128xf32, #tpu.memory_space<vmem>>, vector<1024x128xf32>
      tpu.vector_store %arg10[%swap3A, %swap3A_76], %select_n3A_75 {strides = array<i32>} : memref<1024x128xf32, #tpu.memory_space<vmem>>, vector<1024x128xf32>,
      %slice3A_78 = vector.extract_strided_slice %get3A_66 {offsets = [0, 128], sizes = [1024, 128], strides = [1, 1]} : vector<1024x384xf32> to vector<1024x128xf32>
      %swap3A_79 = arith.constant 0 : index
      %swap3A_80 = arith.constant 0 : index
      %swap3A_81 = vector.load %arg11[%swap3A_79, %swap3A_80] : memref<1024x128xf32, #tpu.memory_space<vmem>>, vector<1024x128xf32>
      tpu.vector_store %arg11[%swap3A_79, %swap3A_80], %slice3A_78 {strides = array<i32>} : memref<1024x128xf32, #tpu.memory_space<vmem>>, vector<1024x128xf32>,
    } else {
    }
    return
  }
  func.func @transform_0(%arg0: i32, %arg1: memref<25xi32, #tpu.memory_space<smem>>, %arg2: memref<25xi32, #tpu.memory_space<smem>>) -> (i32, i32, i32) {
    %c0_i32 = arith.constant 0 : i32
    %c0_i32_0 = arith.constant 0 : i32
    %c0_i32_1 = arith.constant 0 : i32
    return %arg0, %c0_i32, %c0_i32_0 : i32, i32, i32
  }
  func.func @transform_1(%arg0: i32, %arg1: memref<25xi32, #tpu.memory_space<smem>>, %arg2: memref<25xi32, #tpu.memory_space<smem>>) -> (i32, i32, i32) {
    %c0_i32 = arith.constant 0 : i32
    %c0_i32_0 = arith.constant 0 : i32
    %c0_i32_1 = arith.constant 0 : i32
    return %arg0, %c0_i32, %c0_i32_0 : i32, i32, i32
  }
  func.func @transform_2(%arg0: i32, %arg1: memref<25xi32, #tpu.memory_space<smem>>, %arg2: memref<25xi32, #tpu.memory_space<smem>>) -> (i32, i32) {
    %c0_i32 = arith.constant 0 : i32
    %c0_i32_0 = arith.constant 0 : i32
    return %arg0, %c0_i32 : i32, i32
  }
  func.func @transform_3(%arg0: i32, %arg1: memref<25xi32, #tpu.memory_space<smem>>, %arg2: memref<25xi32, #tpu.memory_space<smem>>) -> (i32, i32) {
    %c0_i32 = arith.constant 0 : i32
    %c0_i32_0 = arith.constant 0 : i32
    %c0_i32_1 = arith.constant 0 : i32
    return %c0_i32, %c0_i32_0 : i32, i32
  }
  func.func @transform_4(%arg0: i32, %arg1: memref<25xi32, #tpu.memory_space<smem>>, %arg2: memref<25xi32, #tpu.memory_space<smem>>) -> (i32, i32) {
    %c0_i32 = arith.constant 0 : i32
    %c0_i32_0 = arith.constant 0 : i32
    %c0_i32_1 = arith.constant 0 : i32
    return %c0_i32, %c0_i32_0 : i32, i32
  }
  func.func @transform_5(%arg0: i32, %arg1: memref<25xi32, #tpu.memory_space<smem>>, %arg2: memref<25xi32, #tpu.memory_space<smem>>) -> (i32, i32) {
    %c0_i32 = arith.constant 0 : i32
    %c0_i32_0 = arith.constant 0 : i32
    %c0_i32_1 = arith.constant 0 : i32
    return %c0_i32, %c0_i32_0 : i32, i32
  }
  func.func @transform_6(%arg0: i32, %arg1: memref<25xi32, #tpu.memory_space<smem>>, %arg2: memref<25xi32, #tpu.memory_space<smem>>) -> (i32, i32) {
    %c0_i32 = arith.constant 0 : i32
    %c0_i32_0 = arith.constant 0 : i32
    %c0_i32_1 = arith.constant 0 : i32
    return %c0_i32, %c0_i32_0 : i32, i32
  }
  func.func @transform_7(%arg0: i32, %arg1: memref<25xi32, #tpu.memory_space<smem>>, %arg2: memref<25xi32, #tpu.memory_space<smem>>) -> (i32, i32) {
    %c0_i32 = arith.constant 0 : i32
    %c0_i32_0 = arith.constant 0 : i32
    %c0_i32_1 = arith.constant 0 : i32
    return %c0_i32, %c0_i32_0 : i32, i32
  }
  func.func @transform_8(%arg0: i32, %arg1: memref<25xi32, #tpu.memory_space<smem>>, %arg2: memref<25xi32, #tpu.memory_space<smem>>) -> (i32, i32) {
    %c0_i32 = arith.constant 0 : i32
    %c0_i32_0 = arith.constant 0 : i32
    %c0_i32_1 = arith.constant 0 : i32
    return %c0_i32, %c0_i32_0 : i32, i32
  }
}

</mosaic_0001>

<sc_bundles>
// kernel: kernel.6.cloned.1.call-start
scs
__scs_entry_jumppad:
0x0: {  	(pc) =	sbr.rel $0x88, $3  }
0x1: {  	(tag) =	ssettag $0x0;
	lr =	simm.s32 $0x1  }
0x2: {  	[smem:$0x3F94] =	sst lr;
	_ =	strace $0xD0000000  }
0x3: {  	_ = 	snop  }
0x4: {  	_ = 	snop  }
0x5: {  	_ = 	snop  }
0x6: {  	_ = 	snop  }
0x7: {  	_ = 	snop  }
__scs_overlays_trampoline_lowered:
0x8: {  	[smem:$0x3FA3] =	sst s0  }
0x9: {  	[smem:$0x3FA4] =	sst s1  }
0xa: {  	[smem:$0x3FA5] =	sst s2  }
0xb: {  	[smem:$0x3FA6] =	sst s3  }
0xc: {  	[smem:$0x3FA7] =	sst s4  }
0xd: {  	[smem:$0x3FA8] =	sst s5  }
0xe: {  	[smem:$0x3FA9] =	sst s6  }
0xf: {  	[smem:$0x3FAA] =	sst s7  }
0x10: {  	[smem:$0x3FAB] =	sst s8  }
0x11: {  	[smem:$0x3FAC] =	sst s9;
	s0 =	simm.s32 @!p0 $0x0  }
0x12: {  	s1 =	sld [smem:$0x3F92];
	s0 =	simm.s32 @p0 $0x1  }
0x13: {  	[smem:$0x3FAD] =	sst s0;
	s0 =	simm.s32 @!p1 $0x0  }
0x14: {  	s2 =	sld [smem:$0x3F91];
	s0 =	simm.s32 @p1 $0x1  }
0x15: {  	[smem:$0x3FAE] =	sst s0;
	s0 =	simm.s32 @!p2 $0x0  }
0x16: {  	s3 =	sld [smem:$0x3FDB];
	s0 =	simm.s32 @p2 $0x1  }
0x17: {  	s4 =	simm.s32 $0x1BF5;
	[smem:$0x3FB0] =	sst s0  }
0x18: {  	s0 =	sld [smem:$0x3F93];
	_ =	swait.ge [sflag:s4], $0x0  }
0x19: {  	s7 =	sld [smem:$0x3F94]  }
0x1a: {  	s8 =	sadd.s32 $0xFFFFE003, lr  }
0x1b: {  	s9 =	sadd.s32 $0xFFFFFEF7, lr;
	s5 =	simm.s32 $0xFFFFFFFF;
	p2 =	slt.u32 s8, $0xFFFFF086  }
0x1c: {  	p1 =	slt.u32 s9, $0xF7A;
	s5 =	simm.s32 @!p2 $0x0  }
0x1d: {  	s5 =	simm.s32 @p1 $0x1;
	p0 =	seq.s32 s7, s2  }
0x1e: {  	s7 =	smul.u32 @!p0 $0xF7A, s2;
	p2 =	seq.s32 @!p0 s5, $0x0  }
0x1f: {  	s9 =	smul.u32 $0xF7A, s1;
	s8 =	simm.s32 @!p0 $0x1BF5;
	p2 =	por !p2, p0  }
0x20: {  	[sflag:s8] =	ssyncset.s32 @!p0 $0xFFFFF086;
	s6 =	sadd.s32 @!p0 s3, s7;
	s7 =	simm.s32 @!p0 $0x108  }
0x21: {  	s3 =	sadd.s32 s3, s9;
	s6 =	sadd.s32 @!p0 $0x88, s6;
	s7 =	simm.s32 @p2 $0x1082  }
0x22: {  	[simem:s7], [sflag:s8] =	dma.local @!p0 [hbm:s6], $0xF7A  }
0x23: {  	s9 =	sor.u32 $0xD0000000, s2;
	s6 =	simm.s32 $0x108;
	_ =	swait.ge @!p0 [sflag:s8], $0x0  }
0x24: {  	s3 =	sadd.s32 $0x88, s3;
	s6 =	simm.s32 @!p1 $0x1082;
	[sflag:s4] =	ssyncset.s32 $0xFFFFF086  }
0x25: {  	[simem:s6], [sflag:s4] =	dma.local [hbm:s3], $0xF7A  }
0x26: {  	[smem:$0x3F94] =	sst s1;
	(tag) =	ssettag s2;
	_ =	strace s9  }
0x27: {  	s1 =	sld [smem:$0x3FA4]  }
0x28: {  	s2 =	sld [smem:$0x3FA5]  }
0x29: {  	s4 =	sld [smem:$0x3FA7]  }
0x2a: {  	p0 =	seq.s32 s5, $0x0;
	s5 =	sld [smem:$0x3FA8]  }
0x2b: {  	s6 =	sld [smem:$0x3FA9]  }
0x2c: {  	s7 =	sld [smem:$0x3FAA]  }
0x2d: {  	s3 =	simm.s32 $0x108;
	s8 =	sld [smem:$0x3FAB]  }
0x2e: {  	s3 =	simm.s32 @!p0 $0x1082;
	s9 =	sld [smem:$0x3FAC]  }
0x2f: {  	lr =	sadd.s32 s0, s3;
	s0 =	sld [smem:$0x3FA3]  }
0x30: {  	s3 =	sld [smem:$0x3FA6]  }
0x31: {  	[smem:$0x3FAF] =	sst s10  }
0x32: {  	s10 =	sld [smem:$0x3FAD];
	_ =	sdelay $0x3  }
0x33: {  	p0 =	seq.s32 s10, $0x1;
	s10 =	sld [smem:$0x3FAF];
	_ =	sdelay $0x3  }
0x34: {  	[smem:$0x3FAF] =	sst s10  }
0x35: {  	s10 =	sld [smem:$0x3FAE];
	_ =	sdelay $0x3  }
0x36: {  	p1 =	seq.s32 s10, $0x1;
	s10 =	sld [smem:$0x3FAF];
	_ =	sdelay $0x3  }
0x37: {  	[smem:$0x3FAF] =	sst s10  }
0x38: {  	s10 =	sld [smem:$0x3FB0]  }
0x39: {  	_ = 	snop;
	(pc) =	sbr.ind lr, $3  }
0x3a: {  	_ = 	snop  }
0x3b: {  	_ = 	snop  }
0x3c: {  	p2 =	seq.s32 s10, $0x1;
	s10 =	sld [smem:$0x3FAF]  }
0x3d: {  	_ =	shalt  }
0x3e: {  	_ =	shalt  }
0x3f: {  	_ =	shalt  }
0x40: {  	_ =	shalt  }
0x41: {  	_ =	shalt  }
0x42: {  	_ =	shalt  }
0x43: {  	_ =	shalt  }
0x44: {  	_ =	shalt  }
0x45: {  	_ =	shalt  }
0x46: {  	_ =	shalt  }
0x47: {  	_ =	shalt  }
0x48: {  	_ =	shalt  }
0x49: {  	_ =	shalt  }
0x4a: {  	_ =	shalt  }
0x4b: {  	_ =	shalt  }
0x4c: {  	_ =	shalt  }
0x4d: {  	_ =	shalt  }
0x4e: {  	_ =	shalt  }
0x4f: {  	_ =	shalt  }
0x50: {  	_ =	shalt  }
0x51: {  	_ =	shalt  }
0x52: {  	_ =	shalt  }
0x53: {  	_ =	shalt  }
0x54: {  	_ =	shalt  }
0x55: {  	_ =	shalt  }
0x56: {  	_ =	shalt  }
0x57: {  	_ =	shalt  }
0x58: {  	_ =	shalt  }
0x59: {  	_ =	shalt  }
0x5a: {  	_ =	shalt  }
0x5b: {  	_ =	shalt  }
0x5c: {  	_ =	shalt  }
0x5d: {  	_ =	shalt  }
0x5e: {  	_ =	shalt  }
0x5f: {  	_ =	shalt  }
0x60: {  	_ =	shalt  }
0x61: {  	_ =	shalt  }
0x62: {  	_ =	shalt  }
0x63: {  	_ =	shalt  }
0x64: {  	_ =	shalt  }
0x65: {  	_ =	shalt  }
0x66: {  	_ =	shalt  }
0x67: {  	_ =	shalt  }
0x68: {  	_ =	shalt  }
0x69: {  	_ =	shalt  }
0x6a: {  	_ =	shalt  }
0x6b: {  	_ =	shalt  }
0x6c: {  	_ =	shalt  }
0x6d: {  	_ =	shalt  }
0x6e: {  	_ =	shalt  }
0x6f: {  	_ =	shalt  }
0x70: {  	_ =	shalt  }
0x71: {  	_ =	shalt  }
0x72: {  	_ =	shalt  }
0x73: {  	_ =	shalt  }
0x74: {  	_ =	shalt  }
0x75: {  	_ =	shalt  }
0x76: {  	_ =	shalt  }
0x77: {  	_ =	shalt  }
0x78: {  	_ =	shalt  }
0x79: {  	_ =	shalt  }
0x7a: {  	_ =	shalt  }
0x7b: {  	_ =	shalt  }
0x7c: {  	_ =	shalt  }
0x7d: {  	_ =	shalt  }
0x7e: {  	_ =	shalt  }
0x7f: {  	_ =	shalt  }
0x80: {  	_ =	shalt  }
0x81: {  	_ =	shalt  }
0x82: {  	_ =	shalt  }
0x83: {  	_ =	shalt  }
0x84: {  	_ =	shalt  }
0x85: {  	_ =	shalt  }
0x86: {  	_ =	shalt  }
0x87: {  	_ =	shalt  }
.Lfunc_end0:
.L_simem_size_0:
called_computation_lowered:
.L_overlay_start_0:
0x88: {  	s2 =	sld [smem:$0x3FD9]  }
0x89: {  	s3 =	sld [smem:$0x3FFE];
	_ =	sdelay $0x1  }
0x8a: {  	s1 =	srdreg.scid  }
0x8b: {  	s0 =	sand.u32 $0x1, s1  }
0x8c: {  	s15 =	sshll.u32 s0, $0xA;
	s2 =	sadd.s32 s3, s2  }
0x8d: {  	s2 =	sadd.s32 s2, s15  }
0x8e: {  	[smem:$0x3FBB] =	sst s2  }
0x8f: {  	_ = 	snop  }
0x90: {  	s2 =	sld [smem:$0x3FD0];
	_ =	sdelay $0x1  }
0x91: {  	s16 =	sld [smem:$0x3FC9]  }
0x92: {  	s5 =	simm.s32 $0xA;
	s6 =	simm.s32 $0x10;
	s4 =	sld [smem:$0x3FC7]  }
0x93: {  	[smem:s6], [sflag:s5] =	dma.local [hbm:s2], $0x1  }
0x94: {  	_ =	swait.eq [sflag:s5], $0x1  }
0x95: {  	[sflag:s5] =	ssyncset.done $0x0  }
0x96: {  	[sflag:s5] =	ssyncadd.s32 $0xFFFFFFFF  }
0x97: {  	s17 =	sld [smem:$0x11];
	(tm) =	ssettm $0x1  }
0x98: {  	s18 =	sld [smem:$0x3FFB];
	_ =	sdelay $0x3  }
0x99: {  	_ =	strace s18  }
0x9a: {  	s5 =	sld [smem:$0x3FFC];
	_ =	sdelay $0x3  }
0x9b: {  	_ =	strace s5  }
0x9c: {  	s5 =	sld [smem:$0x3FFD];
	_ =	sdelay $0x3  }
0x9d: {  	_ =	strace s5  }
0x9e: {  	_ =	strace $0x8FFFFFFF  }
0x9f: {  	s19 =	sld [smem:$0x3FDB];
	_ =	sdelay $0x1  }
0xa0: {  	s20 =	simm.s32 $_scs_section_size  }
0xa1: {  	s7 =	simm.s32 $_size__tile_overlayer_lowered;
	s8 =	simm.s32 $_tile_overlayer_lowered  }
0xa2: {  	s23 =	simm.s32 $0x1BFF;
	s22 =	sshll.u32 s8, $0x1;
	s5 =	sadd.s32 s20, s19  }
0xa3: {  	s9 =	simm.s32 $0x0;
	s21 =	sshll.u32 s7, $0x1;
	s7 =	sadd.s32 s22, s5  }
0xa4: {  	[timem:s9], [sflag:s23] =	dma.local [hbm:s7], s21  }
0xa5: {  	_ =	swait.ge [sflag:s23], s21  }
0xa6: {  	s6 =	ssub.s32 $0x0, s21;
	[sflag:s23] =	ssyncset.done $0x0  }
0xa7: {  	[sflag:s23] =	ssyncadd.s32 s6;
	_ =	sdelay $0x1  }
0xa8: {  	s24 =	simm.s32 $0x1B8B  }
0xa9: {  	_ =	swait.ge [sflag:s24], $0x1  }
0xaa: {  	[sflag:s24] =	ssyncset.done $0x0  }
0xab: {  	s25 =	simm.s32 $0x1B8E;
	[sflag:s24] =	ssyncadd.s32 $0xFFFFFFFF  }
0xac: {  	s26 =	simm.s32 $execute0_lowered;
	[smem:$0x3FD2] =	sst s25  }
0xad: {  	s6 =	sshll.u32 s26, $0x1;
	_ =	strace $0x80000046;
	[dreg:$0x1] =	wrdreg $0xFFFFFFFF  }
0xae: {  	s28 =	simm.s32 $_size_execute0_lowered;
	s5 =	sadd.s32 s5, s6;
	[dreg:$0x0] =	wrdreg $0x0  }
0xaf: {  	s6 =	sshll.u32 s28, $0x1;
	[dreg:$0x2] =	wrdreg s5  }
0xb0: {  	[dreg:$0x3] =	wrdreg s6  }
0xb1: {  	[dreg:$0x4] =	wrdreg $0xC0  }
0xb2: {  	_ =	task [dreg:s9], $0x5FFFF  }
0xb3: {  	[dreg:$0x1] =	wrdreg $0xFFFFFFFF  }
0xb4: {  	[dreg:$0x0] =	wrdreg $0x60  }
0xb5: {  	[dreg:$0x2] =	wrdreg s16  }
0xb6: {  	[dreg:$0x3] =	wrdreg s4  }
0xb7: {  	[dreg:$0x4] =	wrdreg s17  }
0xb8: {  	[dreg:$0x5] =	wrdreg $0x9  }
0xb9: {  	_ =	task.clear_ibuf [dreg:s9], $0x6FFFF;
	_ =	strace $0x90000046  }
0xba: {  	s29 =	simm.s32 $0x9;
	_ =	strace $0x80000048  }
0xbb: {  	_ =	swait.ge [sflag:s29], $0x1  }
0xbc: {  	[sflag:s29] =	ssyncadd.s32 $0xFFFFFFFF  }
0xbd: {  	_ =	strace $0x90000048  }
0xbe: {  	_ =	sfence  }
0xbf: {  	s30 =	sld [smem:$0x0];
	_ =	sdelay $0x2  }
0xc0: {  	s31 =	sshll.u32 s1, $0xD;
	s1 =	sshrl.u32 s1, $0x2  }
0xc1: {  	s3 =	sand.u32 $0x4000, s31;
	s1 =	sadd.s32 s1, s30  }
0xc2: {  	s0 =	sor.u32 s3, s0;
	s1 =	sshll.u32 s1, $0x11  }
0xc3: {  	s0 =	sor.u32 s1, s0  }
0xc4: {  	s0 =	sadd.s32 $0x8F2B, s0  }
0xc5: {  	[sflag:s0] =	ssyncadd.remote.s32 $0x1  }
0xc6: {  	_ =	sfence.sel $0xFFFF  }
0xc7: {  	[dreg:$0x0] =	wrdreg $0xFFFFFFFF;
	(pc) =	sbr.abs _section_cstart, $3  }
0xc8: {  	[dreg:$0x1] =	wrdreg $0xFFFFFFFF  }
0xc9: {  	_ =	task.clear_ibuf [dreg:s9], $0x2FFFF;
	_ =	strace $0x9FFFFFFF  }
0xca: {  	(tm) =	ssettm $0x7FFFFFFF  }
0xcb: {  	_ =	shalt  }
tec
execute0_lowered:
.L_overlay_start_1:
0x0: {  	(tag) =	ssettag $0x1  }
0x1: {  	s1 =	rddreg [dreg:$0x0]  }
0x2: {  	s2 =	srdreg.scid;
	s4 =	rddreg [dreg:$0x1]  }
0x3: {  	s0 =	stileid.u32;
	s9 =	rddreg [dreg:$0x2];
	s6 =	sand.u32 $0x1, s2  }
0x4: {  	s3 =	simm.s32 $0x0;
	s5 =	sshll.u32 s0, $0x6;
	s7 =	sshll.u32 s6, $0x5  }
0x5: {  	[smem:$0x7FF] =	sst s3;
	s10 =	sor.u32 s7, s5  }
0x6: {  	s2 =	rddreg [dreg:$0x3];
	_ =	strace $0x80000047;
	s5 =	sshrl.u32 s10, $0x3  }
0x7: {  	s11 =	ssub.s32 $0x2, s6;
	s5 =	sadd.s32 s4, s5;
	s4 =	simm.s32 $0x2  }
0x8: {  	[tilespmem:s3], [sflag:$0x2] =	stream.linear.gather [hbm4b:s5+s3], $0x20, $0x38;
	[tilespmem:$0x1080] =	vst v63  }
0x9: {  	s8 =	simm.s32 $0x1;
	s12 =	sshrl.u32 s11, $0x1;
	_ =	swait.ge [sflag:s4], $0x20  }
0xa: {  	s6 =	simm.s32 $0x20;
	s11 =	ssub.s32 s11, s12;
	[sflag:s4] =	ssyncset.done $0x0  }
0xb: {  	s7 =	simm.s32 $0x80;
	s31 =	smax.u32 s11, $0x1;
	[sflag:s4] =	ssyncadd.s32 $0xFFFFFFE0  }
0xc: {  	[tilespmem:s7], [sflag:$0x1] =	stream.indirect.gather [hbm4b:s1+s6], $0x80, s3, s6, $0xb8;
	[tilespmem:$0x1080] =	vst v63  }
0xd: {  	p0 =	sne.s32 s31, $0x1;
	_ =	swait.ge [sflag:s8], $0x1000  }
.Ltmp0:
0xe: {  	s10 =	sshll.u32 s10, $0x4;
	[sflag:s8] =	ssyncset.done $0x0;
	(pc) =	sbr.rel @!p0 .LBB2_2-.Ltmp0, $4  }
0xf: {  	s9 =	sadd.s32 s9, s10;
	[sflag:s8] =	ssyncadd.s32 $0xFFFFF000  }
0x10: {  	[hbm4b:s9+s3] =	stream.linear.scatter [tilespmem:s7], [sflag:$0x2], $0x1000, $0x38;
	[tilespmem:$0x1080] =	vst v63  }
0x11: {  	_ =	swait.ge [sflag:s4], $0x1000  }
0x12: {  	s10 =	sadd.s32 $0xFFFFFFFF, s31;
	[sflag:s4] =	ssyncset.done $0x0  }
.LBB2_1:
0x13: {  	p0 =	sne.s32 s10, $0x1;
	s10 =	sadd.s32 $0xFFFFFFFF, s10;
	[sflag:s4] =	ssyncadd.s32 $0xFFFFF000  }
0x14: {  	[tilespmem:s3], [sflag:$0x2] =	stream.linear.gather [hbm4b:s5+s3], $0x20, $0x38;
	[tilespmem:$0x1080] =	vst v63  }
0x15: {  	_ =	swait.ge [sflag:s4], $0x20  }
0x16: {  	[sflag:s4] =	ssyncset.done $0x0  }
0x17: {  	[sflag:s4] =	ssyncadd.s32 $0xFFFFFFE0  }
0x18: {  	[tilespmem:s7], [sflag:$0x1] =	stream.indirect.gather [hbm4b:s1+s6], $0x80, s3, s6, $0xb8;
	[tilespmem:$0x1080] =	vst v63  }
0x19: {  	_ =	swait.ge [sflag:s8], $0x1000  }
.Ltmp1:
0x1a: {  	[sflag:s8] =	ssyncset.done $0x0;
	(pc) =	sbr.rel @p0 .LBB2_1-.Ltmp1, $4  }
0x1b: {  	[sflag:s8] =	ssyncadd.s32 $0xFFFFF000  }
0x1c: {  	[hbm4b:s9+s3] =	stream.linear.scatter [tilespmem:s7], [sflag:$0x2], $0x1000, $0x38;
	[tilespmem:$0x1080] =	vst v63  }
0x1d: {  	_ =	swait.ge [sflag:s4], $0x1000  }
0x1e: {  	[sflag:s4] =	ssyncset.done $0x0  }
.LBB2_2:
0x1f: {  	[sflag:s4] =	ssyncadd.s32 $0xFFFFF000  }
0x20: {  	_ =	sfence.sel $0x180000  }
0x21: {  	[bflag:$0x0] =	sbarrier.arrive $0xFFFF  }
0x22: {  	p0 =	sne.s32 s0, $0x0;
	_ =	strace $0x90000047  }
0x23: {  	s0 =	sadd.s32 @!p0 $0x100000, s2;
	[bflag:$0x2] =	sbarrier.arrive $0xFFFF  }
0x24: {  	[sflag:s0] =	ssyncadd.tile.s32 @!p0 $0x1;
	_ =	shalt  }
.Lfunc_end2:
_tile_overlayer_lowered:
.L_overlay_start_2:
0x25: {  	(tag) =	ssettag $0x2  }
0x26: {  	s0 =	rddreg [dreg:$0x0];
	s2 =	stileid.u32  }
0x27: {  	s1 =	rddreg [dreg:$0x1];
	p0 =	sne.s32 s2, $0x0  }
0x28: {  	s3 =	rddreg [dreg:$0x2];
	[bflag:$0x3] =	sbarrier.arrive $0xFFFF;
	s2 =	simm.s32 @!p0 $0x1C02  }
0x29: {  	[timem:s3], [sflag:s2] =	dma.local @!p0 [hbm:s0], s1  }
0x2a: {  	s0 =	simm.s32 @!p0 $0x2  }
0x2b: {  	_ =	swait.ge @!p0 [sflag:s0], s1  }
0x2c: {  	s1 =	ssub.s32 @!p0 $0x0, s1;
	[sflag:s0] =	ssyncset.done @!p0 $0x0  }
0x2d: {  	[sflag:s0] =	ssyncadd.s32 @!p0 s1  }
0x2e: {  	[bflag:$0x3] =	sbarrier.arrive $0xFFFF  }
0x2f: {  	_ =	shalt  }

</sc_bundles>
